<compile_context>
chip_gen: v7x
topology: tpu7x:2x2x1
jax: 0.10.2.dev20260603
libtpu: 0.0.44.dev20260713+nightly
codegen_flags: <defaults>
</compile_context>

<pallas_src>
import functools

import jax
import jax.numpy as jnp
from jax import lax
from jax.experimental import pallas as pl
from jax.experimental.pallas import tpu as pltpu
from jax.experimental.pallas import tpu_sc as plsc

_CLASS_NUM = 1000
_NEG = 10
_D = 2048

_L = 16
_NCHUNK = 16
_CW = _D // _NCHUNK

_RAW_DRAWS = (315, 348, 36, 127, 398, 690, 902, 711, 307, 933)


@functools.partial(
    pl.kernel,
    out_type=jax.ShapeDtypeStruct((_NEG + 1, _D), jnp.float32),
    mesh=plsc.VectorSubcoreMesh(
        core_axis_name="c", subcore_axis_name="s", num_cores=1),
    scratch_types=[
        pltpu.VMEM((_L,), jnp.int32),
        pltpu.VMEM((_L,), jnp.int32),
        pltpu.VMEM((_NEG + 1, _CW), jnp.float32),
        pltpu.SemaphoreType.DMA,
        pltpu.SemaphoreType.DMA,
    ],
)
def _sc_gather(table_hbm, label_hbm, out_hbm,
               label_v, idx_v, rows_v, sem_a, sem_b):
    c = lax.axis_index("s")
    pltpu.sync_copy(label_hbm, label_v)
    lbl = label_v[...]
    lane = lax.iota(jnp.int32, _L)
    raw = jnp.zeros((_L,), jnp.int32)
    for i, v in enumerate(_RAW_DRAWS):
        raw = jnp.where(lane == i + 1, v, raw)
    is_neg = (lane >= 1) & (lane <= _NEG)
    adj = jnp.where(is_neg & (raw >= lbl), raw + 1, raw)
    idx_v[...] = jnp.where(lane == 0, lbl, adj)
    cols = pl.ds(c * _CW, _CW)
    g0 = pltpu.async_copy(table_hbm.at[idx_v.at[pl.ds(0, 8)], cols],
                          rows_v.at[pl.ds(0, 8)], sem_a)
    g1 = pltpu.async_copy(table_hbm.at[idx_v.at[pl.ds(8, 3)], cols],
                          rows_v.at[pl.ds(8, 3)], sem_b)
    g0.wait()
    w0 = pltpu.async_copy(rows_v.at[pl.ds(0, 8)],
                          out_hbm.at[pl.ds(0, 8), cols], sem_a)
    g1.wait()
    w1 = pltpu.async_copy(rows_v.at[pl.ds(8, 3)],
                          out_hbm.at[pl.ds(8, 3), cols], sem_b)
    w0.wait()
    w1.wait()


def kernel(reply_label, source_centers):
    label_vec = jnp.full((_L,), reply_label, jnp.int32)
    return _sc_gather(source_centers, label_vec)

# --- scband reference (transcript-rebuilt; emitter-appended) ---
"""Pipeline reference for scband-info-nce-52931176956271 (READ-ONLY COPY).

The authoritative reference and input builder live on the scoring server;
editing this copy changes nothing except your own understanding.
"""

import jax, jax.numpy as jnp
import numpy as np

CLASS_NUM = 1000
NEG_SAMPLES = 10
D = 2048

def setup_inputs(seed: int = 0) -> dict:
    key = jax.random.key(seed)
    source_centers = jax.random.normal(key, (CLASS_NUM, D), dtype=jnp.float32)
    return {"reply_label": 7, "source_centers": source_centers}

def reference(reply_label, source_centers):
    # Faithful translation of infoNCE.reply_get_posAndneg:
    #   feature_pos = source_centers[reply_label].unsqueeze(0)
    #   negatives   = 10 random class centers with class != reply_label
    # The torch code uses python random.choice; here we use a fixed jax PRNG key
    # for determinism. Negatives are drawn uniformly from the class_num-1
    # classes excluding reply_label (sampling in [0, class_num-1) then shifting
    # indices >= reply_label up by one, which exactly skips the positive class).
    feature_pos = source_centers[reply_label][None, :]
    nkey = jax.random.key(42)
    neg = jax.random.randint(nkey, (NEG_SAMPLES,), 0, CLASS_NUM - 1)
    neg = jnp.where(neg >= reply_label, neg + 1, neg)
    negative_pairs = jnp.take(source_centers, neg, axis=0)
    return jnp.concatenate([feature_pos, negative_pairs], axis=0)

if __name__ == "__main__":
    import jax
    _d = setup_inputs()
    print(jax.jit(kernel)(*tuple(_d.values())))

</pallas_src>

<mosaic_0001>
#map = affine_map<(d0, d1) -> (0, 0)>
#map1 = affine_map<(d0, d1) -> (0)>
module attributes {stable_mosaic.version = 14 : i64} {
  func.func @_sc_gather(%arg0: i32, %arg1: i32, %arg2: memref<1000x2048xf32, #tpu.memory_space<hbm>>, %arg3: memref<16xi32, #tpu.memory_space<hbm>>, %arg4: memref<11x2048xf32, #tpu.memory_space<hbm>>, %arg5: memref<16xi32, #tpu.memory_space<vmem>>, %arg6: memref<16xi32, #tpu.memory_space<vmem>>, %arg7: memref<11x128xf32, #tpu.memory_space<vmem>>, %arg8: memref<!tpu.dma_semaphore, #tpu.memory_space<semaphore_mem>>, %arg9: memref<!tpu.dma_semaphore, #tpu.memory_space<semaphore_mem>>) attributes {dimension_semantics = [#tpu.dimension_semantics<core_parallel>, #tpu.dimension_semantics<subcore_parallel>], iteration_bounds = array<i64: 1, 16>, scalar_prefetch = 0 : i64, scratch_operands = 5 : i64, tpu.core_type = #tpu.core_type<sc_vector_subcore>, window_params = [{transform_indices = #map}, {transform_indices = #map1}, {transform_indices = #map}]} {
    "tpu.region"() ({
      %run_scoped3A = tpu.sem_alloc : memref<!tpu.dma_semaphore, #tpu.memory_space<semaphore_mem>>
      tpu.enqueue_dma source(%arg3 : memref<16xi32, #tpu.memory_space<hbm>>) target(%arg5 : memref<16xi32, #tpu.memory_space<vmem>>) target_semaphore(%run_scoped3A : memref<!tpu.dma_semaphore, #tpu.memory_space<semaphore_mem>>)
      tpu.wait_dma2 semaphore(%run_scoped3A : memref<!tpu.dma_semaphore, #tpu.memory_space<semaphore_mem>>) src(%arg3 : memref<16xi32, #tpu.memory_space<hbm>>) dst(%arg5 : memref<16xi32, #tpu.memory_space<vmem>>)
      tpu.yield
    }) : () -> ()
    %get3A = arith.constant 0 : index
    %get3A_0 = tpu.vector_load %arg5[%get3A] {strides = array<i32>} : memref<16xi32, #tpu.memory_space<vmem>>, vector<16xi32>,
    %get3A_1 = vector.shape_cast %get3A_0 : vector<16xi32> to vector<16xi32>
    %iota3A = tpu.iota {dimensions = array<i32: 0>} : vector<16xi32>
    %broadcast_in_dim3A = arith.constant 0 : i32
    %broadcast_in_dim3A_2 = vector.broadcast %broadcast_in_dim3A : i32 to vector<16xi32>
    %eq3A = arith.constant 1 : i32
    %eq3A_3 = vector.broadcast %eq3A : i32 to vector<16xi32>
    %eq3A_4 = arith.cmpi eq, %iota3A, %eq3A_3 : vector<16xi32>
    %jit3A = arith.constant 315 : i32
    %broadcast_in_dim3A_5 = vector.broadcast %jit3A : i32 to vector<16xi32>
    %select_n3A = arith.select %eq3A_4, %broadcast_in_dim3A_5, %broadcast_in_dim3A_2 : vector<16xi1>, vector<16xi32>
    %eq3A_6 = arith.constant 2 : i32
    %eq3A_7 = vector.broadcast %eq3A_6 : i32 to vector<16xi32>
    %eq3A_8 = arith.cmpi eq, %iota3A, %eq3A_7 : vector<16xi32>
    %jit3A_9 = arith.constant 348 : i32
    %broadcast_in_dim3A_10 = vector.broadcast %jit3A_9 : i32 to vector<16xi32>
    %select_n3A_11 = arith.select %eq3A_8, %broadcast_in_dim3A_10, %select_n3A : vector<16xi1>, vector<16xi32>
    %eq3A_12 = arith.constant 3 : i32
    %eq3A_13 = vector.broadcast %eq3A_12 : i32 to vector<16xi32>
    %eq3A_14 = arith.cmpi eq, %iota3A, %eq3A_13 : vector<16xi32>
    %jit3A_15 = arith.constant 36 : i32
    %broadcast_in_dim3A_16 = vector.broadcast %jit3A_15 : i32 to vector<16xi32>
    %select_n3A_17 = arith.select %eq3A_14, %broadcast_in_dim3A_16, %select_n3A_11 : vector<16xi1>, vector<16xi32>
    %eq3A_18 = arith.constant 4 : i32
    %eq3A_19 = vector.broadcast %eq3A_18 : i32 to vector<16xi32>
    %eq3A_20 = arith.cmpi eq, %iota3A, %eq3A_19 : vector<16xi32>
    %jit3A_21 = arith.constant 127 : i32
    %broadcast_in_dim3A_22 = vector.broadcast %jit3A_21 : i32 to vector<16xi32>
    %select_n3A_23 = arith.select %eq3A_20, %broadcast_in_dim3A_22, %select_n3A_17 : vector<16xi1>, vector<16xi32>
    %eq3A_24 = arith.constant 5 : i32
    %eq3A_25 = vector.broadcast %eq3A_24 : i32 to vector<16xi32>
    %eq3A_26 = arith.cmpi eq, %iota3A, %eq3A_25 : vector<16xi32>
    %jit3A_27 = arith.constant 398 : i32
    %broadcast_in_dim3A_28 = vector.broadcast %jit3A_27 : i32 to vector<16xi32>
    %select_n3A_29 = arith.select %eq3A_26, %broadcast_in_dim3A_28, %select_n3A_23 : vector<16xi1>, vector<16xi32>
    %eq3A_30 = arith.constant 6 : i32
    %eq3A_31 = vector.broadcast %eq3A_30 : i32 to vector<16xi32>
    %eq3A_32 = arith.cmpi eq, %iota3A, %eq3A_31 : vector<16xi32>
    %jit3A_33 = arith.constant 690 : i32
    %broadcast_in_dim3A_34 = vector.broadcast %jit3A_33 : i32 to vector<16xi32>
    %select_n3A_35 = arith.select %eq3A_32, %broadcast_in_dim3A_34, %select_n3A_29 : vector<16xi1>, vector<16xi32>
    %eq3A_36 = arith.constant 7 : i32
    %eq3A_37 = vector.broadcast %eq3A_36 : i32 to vector<16xi32>
    %eq3A_38 = arith.cmpi eq, %iota3A, %eq3A_37 : vector<16xi32>
    %jit3A_39 = arith.constant 902 : i32
    %broadcast_in_dim3A_40 = vector.broadcast %jit3A_39 : i32 to vector<16xi32>
    %select_n3A_41 = arith.select %eq3A_38, %broadcast_in_dim3A_40, %select_n3A_35 : vector<16xi1>, vector<16xi32>
    %eq3A_42 = arith.constant 8 : i32
    %eq3A_43 = vector.broadcast %eq3A_42 : i32 to vector<16xi32>
    %eq3A_44 = arith.cmpi eq, %iota3A, %eq3A_43 : vector<16xi32>
    %jit3A_45 = arith.constant 711 : i32
    %broadcast_in_dim3A_46 = vector.broadcast %jit3A_45 : i32 to vector<16xi32>
    %select_n3A_47 = arith.select %eq3A_44, %broadcast_in_dim3A_46, %select_n3A_41 : vector<16xi1>, vector<16xi32>
    %eq3A_48 = arith.constant 9 : i32
    %eq3A_49 = vector.broadcast %eq3A_48 : i32 to vector<16xi32>
    %eq3A_50 = arith.cmpi eq, %iota3A, %eq3A_49 : vector<16xi32>
    %jit3A_51 = arith.constant 307 : i32
    %broadcast_in_dim3A_52 = vector.broadcast %jit3A_51 : i32 to vector<16xi32>
    %select_n3A_53 = arith.select %eq3A_50, %broadcast_in_dim3A_52, %select_n3A_47 : vector<16xi1>, vector<16xi32>
    %eq3A_54 = arith.constant 10 : i32
    %eq3A_55 = vector.broadcast %eq3A_54 : i32 to vector<16xi32>
    %eq3A_56 = arith.cmpi eq, %iota3A, %eq3A_55 : vector<16xi32>
    %jit3A_57 = arith.constant 933 : i32
    %broadcast_in_dim3A_58 = vector.broadcast %jit3A_57 : i32 to vector<16xi32>
    %select_n3A_59 = arith.select %eq3A_56, %broadcast_in_dim3A_58, %select_n3A_53 : vector<16xi1>, vector<16xi32>
    %ge3A = arith.constant 1 : i32
    %ge3A_60 = vector.broadcast %ge3A : i32 to vector<16xi32>
    %ge3A_61 = arith.cmpi sge, %iota3A, %ge3A_60 : vector<16xi32>
    %le3A = arith.constant 10 : i32
    %le3A_62 = vector.broadcast %le3A : i32 to vector<16xi32>
    %le3A_63 = arith.cmpi sle, %iota3A, %le3A_62 : vector<16xi32>
    %and3A = arith.andi %ge3A_61, %le3A_63 : vector<16xi1>
    %ge3A_64 = arith.cmpi sge, %select_n3A_59, %get3A_1 : vector<16xi32>
    %and3A_65 = arith.andi %and3A, %ge3A_64 : vector<16xi1>
    %add3A = arith.constant 1 : i32
    %add3A_66 = vector.broadcast %add3A : i32 to vector<16xi32>
    %add3A_67 = arith.addi %select_n3A_59, %add3A_66 : vector<16xi32>
    %select_n3A_68 = arith.select %and3A_65, %add3A_67, %select_n3A_59 : vector<16xi1>, vector<16xi32>
    %eq3A_69 = arith.constant 0 : i32
    %eq3A_70 = vector.broadcast %eq3A_69 : i32 to vector<16xi32>
    %eq3A_71 = arith.cmpi eq, %iota3A, %eq3A_70 : vector<16xi32>
    %select_n3A_72 = arith.select %eq3A_71, %get3A_1, %select_n3A_68 : vector<16xi1>, vector<16xi32>
    %swap3A = arith.constant 0 : index
    %swap3A_73 = tpu.vector_load %arg6[%swap3A] {strides = array<i32>} : memref<16xi32, #tpu.memory_space<vmem>>, vector<16xi32>,
    %swap3A_74 = vector.shape_cast %swap3A_73 : vector<16xi32> to vector<16xi32>
    %swap3A_75 = vector.shape_cast %select_n3A_72 : vector<16xi32> to vector<16xi32>
    tpu.vector_store %arg6[%swap3A], %swap3A_75 {strides = array<i32>} : memref<16xi32, #tpu.memory_space<vmem>>, vector<16xi32>,
    %mul3A = arith.constant 128 : i32
    %mul3A_76 = arith.muli %arg1, %mul3A : i32
    %dma_start3A = arith.constant 0 : i32
    %dma_start3A_77 = arith.constant 0 : i32
    %dma_start3A_78 = tpu.memref_slice %arg7[%dma_start3A, %dma_start3A_77] : memref<11x128xf32, #tpu.memory_space<vmem>> -> memref<8x128xf32, #tpu.memory_space<vmem>>
    %dma_start3A_79 = arith.constant 0 : i32
    %dma_start3A_80 = tpu.memref_slice %arg6[%dma_start3A_79] : memref<16xi32, #tpu.memory_space<vmem>> -> memref<8xi32, #tpu.memory_space<vmem>>
    %dma_start3A_81 = arith.constant 0 : i32
    %dma_start3A_82 = tpu.memref_slice %arg2[%dma_start3A_81, %mul3A_76] : memref<1000x2048xf32, #tpu.memory_space<hbm>> -> memref<1000x128xf32, #tpu.memory_space<hbm>>
    tpu.enqueue_indirect_dma source(%dma_start3A_82 : memref<1000x128xf32, #tpu.memory_space<hbm>>) target(%dma_start3A_78 : memref<8x128xf32, #tpu.memory_space<vmem>>) offsets(%dma_start3A_80 : memref<8xi32, #tpu.memory_space<vmem>>) semaphore(%arg8 : memref<!tpu.dma_semaphore, #tpu.memory_space<semaphore_mem>>)
    %dma_start3A_83 = arith.constant 8 : i32
    %dma_start3A_84 = arith.constant 0 : i32
    %dma_start3A_85 = tpu.memref_slice %arg7[%dma_start3A_83, %dma_start3A_84] : memref<11x128xf32, #tpu.memory_space<vmem>> -> memref<3x128xf32, #tpu.memory_space<vmem>>
    %dma_start3A_86 = arith.constant 8 : i32
    %dma_start3A_87 = tpu.memref_slice %arg6[%dma_start3A_86] : memref<16xi32, #tpu.memory_space<vmem>> -> memref<3xi32, #tpu.memory_space<vmem>>
    %dma_start3A_88 = arith.constant 0 : i32
    %dma_start3A_89 = tpu.memref_slice %arg2[%dma_start3A_88, %mul3A_76] : memref<1000x2048xf32, #tpu.memory_space<hbm>> -> memref<1000x128xf32, #tpu.memory_space<hbm>>
    tpu.enqueue_indirect_dma source(%dma_start3A_89 : memref<1000x128xf32, #tpu.memory_space<hbm>>) target(%dma_start3A_85 : memref<3x128xf32, #tpu.memory_space<vmem>>) offsets(%dma_start3A_87 : memref<3xi32, #tpu.memory_space<vmem>>) semaphore(%arg9 : memref<!tpu.dma_semaphore, #tpu.memory_space<semaphore_mem>>)
    %dma_wait3A = arith.constant 0 : i32
    %dma_wait3A_90 = arith.constant 0 : i32
    %dma_wait3A_91 = tpu.memref_slice %arg7[%dma_wait3A, %dma_wait3A_90] : memref<11x128xf32, #tpu.memory_space<vmem>> -> memref<8x128xf32, #tpu.memory_space<vmem>>
    %dma_wait3A_92 = arith.constant 0 : i32
    %dma_wait3A_93 = tpu.memref_slice %arg6[%dma_wait3A_92] : memref<16xi32, #tpu.memory_space<vmem>> -> memref<8xi32, #tpu.memory_space<vmem>>
    %dma_wait3A_94 = arith.constant 0 : i32
    %dma_wait3A_95 = tpu.memref_slice %arg2[%dma_wait3A_94, %mul3A_76] : memref<1000x2048xf32, #tpu.memory_space<hbm>> -> memref<1000x128xf32, #tpu.memory_space<hbm>>
    tpu.wait_indirect_dma semaphore(%arg8 : memref<!tpu.dma_semaphore, #tpu.memory_space<semaphore_mem>>) src(%dma_wait3A_95 : memref<1000x128xf32, #tpu.memory_space<hbm>>) dst(%dma_wait3A_91 : memref<8x128xf32, #tpu.memory_space<vmem>>)
    %dma_start3A_96 = arith.constant 0 : i32
    %dma_start3A_97 = arith.constant 0 : i32
    %dma_start3A_98 = tpu.memref_slice %arg7[%dma_start3A_96, %dma_start3A_97] : memref<11x128xf32, #tpu.memory_space<vmem>> -> memref<8x128xf32, #tpu.memory_space<vmem>>
    %dma_start3A_99 = arith.constant 0 : i32
    %dma_start3A_100 = tpu.memref_slice %arg4[%dma_start3A_99, %mul3A_76] : memref<11x2048xf32, #tpu.memory_space<hbm>> -> memref<8x128xf32, #tpu.memory_space<hbm>>
    %dma_start3A_101 = arith.constant 0 : i32
    %dma_start3A_102 = tpu.memref_slice %arg4[%dma_start3A_101, %mul3A_76] : memref<11x2048xf32, #tpu.memory_space<hbm>> -> memref<8x128xf32, #tpu.memory_space<hbm>>
    %dma_start3A_103 = arith.constant 0 : i32
    %dma_start3A_104 = arith.constant 0 : i32
    %dma_start3A_105 = tpu.memref_slice %arg7[%dma_start3A_103, %dma_start3A_104] : memref<11x128xf32, #tpu.memory_space<vmem>> -> memref<8x128xf32, #tpu.memory_space<vmem>>
    tpu.enqueue_dma source(%dma_start3A_105 : memref<8x128xf32, #tpu.memory_space<vmem>>) target(%dma_start3A_102 : memref<8x128xf32, #tpu.memory_space<hbm>>) target_semaphore(%arg8 : memref<!tpu.dma_semaphore, #tpu.memory_space<semaphore_mem>>)
    %dma_wait3A_106 = arith.constant 8 : i32
    %dma_wait3A_107 = arith.constant 0 : i32
    %dma_wait3A_108 = tpu.memref_slice %arg7[%dma_wait3A_106, %dma_wait3A_107] : memref<11x128xf32, #tpu.memory_space<vmem>> -> memref<3x128xf32, #tpu.memory_space<vmem>>
    %dma_wait3A_109 = arith.constant 8 : i32
    %dma_wait3A_110 = tpu.memref_slice %arg6[%dma_wait3A_109] : memref<16xi32, #tpu.memory_space<vmem>> -> memref<3xi32, #tpu.memory_space<vmem>>
    %dma_wait3A_111 = arith.constant 0 : i32
    %dma_wait3A_112 = tpu.memref_slice %arg2[%dma_wait3A_111, %mul3A_76] : memref<1000x2048xf32, #tpu.memory_space<hbm>> -> memref<1000x128xf32, #tpu.memory_space<hbm>>
    tpu.wait_indirect_dma semaphore(%arg9 : memref<!tpu.dma_semaphore, #tpu.memory_space<semaphore_mem>>) src(%dma_wait3A_112 : memref<1000x128xf32, #tpu.memory_space<hbm>>) dst(%dma_wait3A_108 : memref<3x128xf32, #tpu.memory_space<vmem>>)
    %dma_start3A_113 = arith.constant 8 : i32
    %dma_start3A_114 = arith.constant 0 : i32
    %dma_start3A_115 = tpu.memref_slice %arg7[%dma_start3A_113, %dma_start3A_114] : memref<11x128xf32, #tpu.memory_space<vmem>> -> memref<3x128xf32, #tpu.memory_space<vmem>>
    %dma_start3A_116 = arith.constant 8 : i32
    %dma_start3A_117 = tpu.memref_slice %arg4[%dma_start3A_116, %mul3A_76] : memref<11x2048xf32, #tpu.memory_space<hbm>> -> memref<3x128xf32, #tpu.memory_space<hbm>>
    %dma_start3A_118 = arith.constant 8 : i32
    %dma_start3A_119 = tpu.memref_slice %arg4[%dma_start3A_118, %mul3A_76] : memref<11x2048xf32, #tpu.memory_space<hbm>> -> memref<3x128xf32, #tpu.memory_space<hbm>>
    %dma_start3A_120 = arith.constant 8 : i32
    %dma_start3A_121 = arith.constant 0 : i32
    %dma_start3A_122 = tpu.memref_slice %arg7[%dma_start3A_120, %dma_start3A_121] : memref<11x128xf32, #tpu.memory_space<vmem>> -> memref<3x128xf32, #tpu.memory_space<vmem>>
    tpu.enqueue_dma source(%dma_start3A_122 : memref<3x128xf32, #tpu.memory_space<vmem>>) target(%dma_start3A_119 : memref<3x128xf32, #tpu.memory_space<hbm>>) target_semaphore(%arg9 : memref<!tpu.dma_semaphore, #tpu.memory_space<semaphore_mem>>)
    %dma_wait3A_123 = arith.constant 0 : i32
    %dma_wait3A_124 = arith.constant 0 : i32
    %dma_wait3A_125 = tpu.memref_slice %arg7[%dma_wait3A_123, %dma_wait3A_124] : memref<11x128xf32, #tpu.memory_space<vmem>> -> memref<8x128xf32, #tpu.memory_space<vmem>>
    %dma_wait3A_126 = arith.constant 0 : i32
    %dma_wait3A_127 = tpu.memref_slice %arg4[%dma_wait3A_126, %mul3A_76] : memref<11x2048xf32, #tpu.memory_space<hbm>> -> memref<8x128xf32, #tpu.memory_space<hbm>>
    %dma_wait3A_128 = arith.constant 0 : i32
    %dma_wait3A_129 = tpu.memref_slice %arg4[%dma_wait3A_128, %mul3A_76] : memref<11x2048xf32, #tpu.memory_space<hbm>> -> memref<8x128xf32, #tpu.memory_space<hbm>>
    %dma_wait3A_130 = arith.constant 0 : i32
    %dma_wait3A_131 = arith.constant 0 : i32
    %dma_wait3A_132 = tpu.memref_slice %arg7[%dma_wait3A_130, %dma_wait3A_131] : memref<11x128xf32, #tpu.memory_space<vmem>> -> memref<8x128xf32, #tpu.memory_space<vmem>>
    tpu.wait_dma2 semaphore(%arg8 : memref<!tpu.dma_semaphore, #tpu.memory_space<semaphore_mem>>) src(%dma_wait3A_132 : memref<8x128xf32, #tpu.memory_space<vmem>>) dst(%dma_wait3A_129 : memref<8x128xf32, #tpu.memory_space<hbm>>)
    %dma_wait3A_133 = arith.constant 8 : i32
    %dma_wait3A_134 = arith.constant 0 : i32
    %dma_wait3A_135 = tpu.memref_slice %arg7[%dma_wait3A_133, %dma_wait3A_134] : memref<11x128xf32, #tpu.memory_space<vmem>> -> memref<3x128xf32, #tpu.memory_space<vmem>>
    %dma_wait3A_136 = arith.constant 8 : i32
    %dma_wait3A_137 = tpu.memref_slice %arg4[%dma_wait3A_136, %mul3A_76] : memref<11x2048xf32, #tpu.memory_space<hbm>> -> memref<3x128xf32, #tpu.memory_space<hbm>>
    %dma_wait3A_138 = arith.constant 8 : i32
    %dma_wait3A_139 = tpu.memref_slice %arg4[%dma_wait3A_138, %mul3A_76] : memref<11x2048xf32, #tpu.memory_space<hbm>> -> memref<3x128xf32, #tpu.memory_space<hbm>>
    %dma_wait3A_140 = arith.constant 8 : i32
    %dma_wait3A_141 = arith.constant 0 : i32
    %dma_wait3A_142 = tpu.memref_slice %arg7[%dma_wait3A_140, %dma_wait3A_141] : memref<11x128xf32, #tpu.memory_space<vmem>> -> memref<3x128xf32, #tpu.memory_space<vmem>>
    tpu.wait_dma2 semaphore(%arg9 : memref<!tpu.dma_semaphore, #tpu.memory_space<semaphore_mem>>) src(%dma_wait3A_142 : memref<3x128xf32, #tpu.memory_space<vmem>>) dst(%dma_wait3A_139 : memref<3x128xf32, #tpu.memory_space<hbm>>)
    return
  }
}

</mosaic_0001>

<sc_bundles>
// kernel: kernel.3.cloned.1.call-start
scs
__scs_entry_jumppad:
0x0: {  	(pc) =	sbr.rel $0x88, $3  }
0x1: {  	(tag) =	ssettag $0x0;
	lr =	simm.s32 $0x1  }
0x2: {  	[smem:$0x3F9F] =	sst lr;
	_ =	strace $0xD0000000  }
0x3: {  	_ = 	snop  }
0x4: {  	_ = 	snop  }
0x5: {  	_ = 	snop  }
0x6: {  	_ = 	snop  }
0x7: {  	_ = 	snop  }
__scs_overlays_trampoline_lowered:
0x8: {  	[smem:$0x3FAE] =	sst s0  }
0x9: {  	[smem:$0x3FAF] =	sst s1  }
0xa: {  	[smem:$0x3FB0] =	sst s2  }
0xb: {  	[smem:$0x3FB1] =	sst s3  }
0xc: {  	[smem:$0x3FB2] =	sst s4  }
0xd: {  	[smem:$0x3FB3] =	sst s5  }
0xe: {  	[smem:$0x3FB4] =	sst s6  }
0xf: {  	[smem:$0x3FB5] =	sst s7  }
0x10: {  	[smem:$0x3FB6] =	sst s8  }
0x11: {  	[smem:$0x3FB7] =	sst s9;
	s0 =	simm.s32 @!p0 $0x0  }
0x12: {  	s1 =	sld [smem:$0x3F9D];
	s0 =	simm.s32 @p0 $0x1  }
0x13: {  	[smem:$0x3FB8] =	sst s0;
	s0 =	simm.s32 @!p1 $0x0  }
0x14: {  	s2 =	sld [smem:$0x3F9C];
	s0 =	simm.s32 @p1 $0x1  }
0x15: {  	[smem:$0x3FB9] =	sst s0;
	s0 =	simm.s32 @!p2 $0x0  }
0x16: {  	s3 =	sld [smem:$0x3FDB];
	s0 =	simm.s32 @p2 $0x1  }
0x17: {  	s4 =	simm.s32 $0x1BF5;
	[smem:$0x3FBB] =	sst s0  }
0x18: {  	s0 =	sld [smem:$0x3F9E];
	_ =	swait.ge [sflag:s4], $0x0  }
0x19: {  	s7 =	sld [smem:$0x3F9F]  }
0x1a: {  	s8 =	sadd.s32 $0xFFFFE003, lr  }
0x1b: {  	s9 =	sadd.s32 $0xFFFFFEF7, lr;
	s5 =	simm.s32 $0xFFFFFFFF;
	p2 =	slt.u32 s8, $0xFFFFF086  }
0x1c: {  	p1 =	slt.u32 s9, $0xF7A;
	s5 =	simm.s32 @!p2 $0x0  }
0x1d: {  	s5 =	simm.s32 @p1 $0x1;
	p0 =	seq.s32 s7, s2  }
0x1e: {  	s7 =	smul.u32 @!p0 $0xF7A, s2;
	p2 =	seq.s32 @!p0 s5, $0x0  }
0x1f: {  	s9 =	smul.u32 $0xF7A, s1;
	s8 =	simm.s32 @!p0 $0x1BF5;
	p2 =	por !p2, p0  }
0x20: {  	[sflag:s8] =	ssyncset.s32 @!p0 $0xFFFFF086;
	s6 =	sadd.s32 @!p0 s3, s7;
	s7 =	simm.s32 @!p0 $0x108  }
0x21: {  	s3 =	sadd.s32 s3, s9;
	s6 =	sadd.s32 @!p0 $0x88, s6;
	s7 =	simm.s32 @p2 $0x1082  }
0x22: {  	[simem:s7], [sflag:s8] =	dma.local @!p0 [hbm:s6], $0xF7A  }
0x23: {  	s9 =	sor.u32 $0xD0000000, s2;
	s6 =	simm.s32 $0x108;
	_ =	swait.ge @!p0 [sflag:s8], $0x0  }
0x24: {  	s3 =	sadd.s32 $0x88, s3;
	s6 =	simm.s32 @!p1 $0x1082;
	[sflag:s4] =	ssyncset.s32 $0xFFFFF086  }
0x25: {  	[simem:s6], [sflag:s4] =	dma.local [hbm:s3], $0xF7A  }
0x26: {  	[smem:$0x3F9F] =	sst s1;
	(tag) =	ssettag s2;
	_ =	strace s9  }
0x27: {  	s1 =	sld [smem:$0x3FAF]  }
0x28: {  	s2 =	sld [smem:$0x3FB0]  }
0x29: {  	s4 =	sld [smem:$0x3FB2]  }
0x2a: {  	p0 =	seq.s32 s5, $0x0;
	s5 =	sld [smem:$0x3FB3]  }
0x2b: {  	s6 =	sld [smem:$0x3FB4]  }
0x2c: {  	s7 =	sld [smem:$0x3FB5]  }
0x2d: {  	s3 =	simm.s32 $0x108;
	s8 =	sld [smem:$0x3FB6]  }
0x2e: {  	s3 =	simm.s32 @!p0 $0x1082;
	s9 =	sld [smem:$0x3FB7]  }
0x2f: {  	lr =	sadd.s32 s0, s3;
	s0 =	sld [smem:$0x3FAE]  }
0x30: {  	s3 =	sld [smem:$0x3FB1]  }
0x31: {  	[smem:$0x3FBA] =	sst s10  }
0x32: {  	s10 =	sld [smem:$0x3FB8];
	_ =	sdelay $0x3  }
0x33: {  	p0 =	seq.s32 s10, $0x1;
	s10 =	sld [smem:$0x3FBA];
	_ =	sdelay $0x3  }
0x34: {  	[smem:$0x3FBA] =	sst s10  }
0x35: {  	s10 =	sld [smem:$0x3FB9];
	_ =	sdelay $0x3  }
0x36: {  	p1 =	seq.s32 s10, $0x1;
	s10 =	sld [smem:$0x3FBA];
	_ =	sdelay $0x3  }
0x37: {  	[smem:$0x3FBA] =	sst s10  }
0x38: {  	s10 =	sld [smem:$0x3FBB]  }
0x39: {  	_ = 	snop;
	(pc) =	sbr.ind lr, $3  }
0x3a: {  	_ = 	snop  }
0x3b: {  	_ = 	snop  }
0x3c: {  	p2 =	seq.s32 s10, $0x1;
	s10 =	sld [smem:$0x3FBA]  }
0x3d: {  	_ =	shalt  }
0x3e: {  	_ =	shalt  }
0x3f: {  	_ =	shalt  }
0x40: {  	_ =	shalt  }
0x41: {  	_ =	shalt  }
0x42: {  	_ =	shalt  }
0x43: {  	_ =	shalt  }
0x44: {  	_ =	shalt  }
0x45: {  	_ =	shalt  }
0x46: {  	_ =	shalt  }
0x47: {  	_ =	shalt  }
0x48: {  	_ =	shalt  }
0x49: {  	_ =	shalt  }
0x4a: {  	_ =	shalt  }
0x4b: {  	_ =	shalt  }
0x4c: {  	_ =	shalt  }
0x4d: {  	_ =	shalt  }
0x4e: {  	_ =	shalt  }
0x4f: {  	_ =	shalt  }
0x50: {  	_ =	shalt  }
0x51: {  	_ =	shalt  }
0x52: {  	_ =	shalt  }
0x53: {  	_ =	shalt  }
0x54: {  	_ =	shalt  }
0x55: {  	_ =	shalt  }
0x56: {  	_ =	shalt  }
0x57: {  	_ =	shalt  }
0x58: {  	_ =	shalt  }
0x59: {  	_ =	shalt  }
0x5a: {  	_ =	shalt  }
0x5b: {  	_ =	shalt  }
0x5c: {  	_ =	shalt  }
0x5d: {  	_ =	shalt  }
0x5e: {  	_ =	shalt  }
0x5f: {  	_ =	shalt  }
0x60: {  	_ =	shalt  }
0x61: {  	_ =	shalt  }
0x62: {  	_ =	shalt  }
0x63: {  	_ =	shalt  }
0x64: {  	_ =	shalt  }
0x65: {  	_ =	shalt  }
0x66: {  	_ =	shalt  }
0x67: {  	_ =	shalt  }
0x68: {  	_ =	shalt  }
0x69: {  	_ =	shalt  }
0x6a: {  	_ =	shalt  }
0x6b: {  	_ =	shalt  }
0x6c: {  	_ =	shalt  }
0x6d: {  	_ =	shalt  }
0x6e: {  	_ =	shalt  }
0x6f: {  	_ =	shalt  }
0x70: {  	_ =	shalt  }
0x71: {  	_ =	shalt  }
0x72: {  	_ =	shalt  }
0x73: {  	_ =	shalt  }
0x74: {  	_ =	shalt  }
0x75: {  	_ =	shalt  }
0x76: {  	_ =	shalt  }
0x77: {  	_ =	shalt  }
0x78: {  	_ =	shalt  }
0x79: {  	_ =	shalt  }
0x7a: {  	_ =	shalt  }
0x7b: {  	_ =	shalt  }
0x7c: {  	_ =	shalt  }
0x7d: {  	_ =	shalt  }
0x7e: {  	_ =	shalt  }
0x7f: {  	_ =	shalt  }
0x80: {  	_ =	shalt  }
0x81: {  	_ =	shalt  }
0x82: {  	_ =	shalt  }
0x83: {  	_ =	shalt  }
0x84: {  	_ =	shalt  }
0x85: {  	_ =	shalt  }
0x86: {  	_ =	shalt  }
0x87: {  	_ =	shalt  }
.Lfunc_end0:
.L_simem_size_0:
called_computation_lowered:
.L_overlay_start_0:
0x88: {  	s0 =	sld [smem:$0x3FD9]  }
0x89: {  	s1 =	sld [smem:$0x3FFE];
	_ =	sdelay $0x3  }
0x8a: {  	s0 =	sadd.s32 s1, s0  }
0x8b: {  	[smem:$0x3FC6] =	sst s0  }
0x8c: {  	_ = 	snop  }
0x8d: {  	s0 =	sld [smem:$0x3FC8]  }
0x8e: {  	s16 =	sld [smem:$0x3FD0];
	(tm) =	ssettm $0x1  }
0x8f: {  	s2 =	sld [smem:$0x3FFB];
	_ =	sdelay $0x3  }
0x90: {  	_ =	strace s2  }
0x91: {  	s2 =	sld [smem:$0x3FFC];
	_ =	sdelay $0x3  }
0x92: {  	_ =	strace s2  }
0x93: {  	s2 =	sld [smem:$0x3FFD];
	_ =	sdelay $0x3  }
0x94: {  	_ =	strace s2  }
0x95: {  	_ =	strace $0x8FFFFFFF  }
0x96: {  	s17 =	sld [smem:$0x3FDB];
	_ =	sdelay $0x1  }
0x97: {  	s3 =	simm.s32 $_scs_section_size  }
0x98: {  	s4 =	simm.s32 $_size__tile_overlayer_lowered;
	s5 =	simm.s32 $_tile_overlayer_lowered  }
0x99: {  	s20 =	simm.s32 $0x1BFF;
	s19 =	sshll.u32 s5, $0x1;
	s2 =	sadd.s32 s3, s17  }
0x9a: {  	s6 =	simm.s32 $0x0;
	s18 =	sshll.u32 s4, $0x1;
	s4 =	sadd.s32 s19, s2  }
0x9b: {  	[timem:s6], [sflag:s20] =	dma.local [hbm:s4], s18  }
0x9c: {  	_ =	swait.ge [sflag:s20], s18  }
0x9d: {  	s3 =	ssub.s32 $0x0, s18;
	[sflag:s20] =	ssyncset.done $0x0  }
0x9e: {  	[sflag:s20] =	ssyncadd.s32 s3;
	_ =	sdelay $0x1  }
0x9f: {  	s21 =	simm.s32 $0x1B8B  }
0xa0: {  	_ =	swait.ge [sflag:s21], $0x1  }
0xa1: {  	[sflag:s21] =	ssyncset.done $0x0  }
0xa2: {  	s23 =	simm.s32 $0x1B8E;
	s22 =	sld [smem:$0x3FFE];
	[sflag:s21] =	ssyncadd.s32 $0xFFFFFFFF  }
0xa3: {  	s24 =	simm.s32 $execute0_lowered;
	[smem:$0x3FD2] =	sst s23  }
0xa4: {  	s4 =	sshll.u32 s24, $0x1;
	_ =	strace $0x80000046;
	[dreg:$0x1] =	wrdreg $0xFFFFFFFF  }
0xa5: {  	s25 =	simm.s32 $_size_execute0_lowered;
	s2 =	sadd.s32 s2, s4;
	[dreg:$0x0] =	wrdreg $0x0  }
0xa6: {  	s4 =	sshll.u32 s25, $0x1;
	[dreg:$0x2] =	wrdreg s2  }
0xa7: {  	[dreg:$0x3] =	wrdreg s4  }
0xa8: {  	[dreg:$0x4] =	wrdreg $0xC0  }
0xa9: {  	_ =	task [dreg:s6], $0x5FFFF  }
0xaa: {  	[dreg:$0x1] =	wrdreg $0xFFFFFFFF  }
0xab: {  	[dreg:$0x0] =	wrdreg $0x60  }
0xac: {  	[dreg:$0x2] =	wrdreg s0  }
0xad: {  	[dreg:$0x3] =	wrdreg s22  }
0xae: {  	[dreg:$0x4] =	wrdreg s16  }
0xaf: {  	[dreg:$0x5] =	wrdreg $0x9  }
0xb0: {  	_ =	task.clear_ibuf [dreg:s6], $0x6FFFF;
	_ =	strace $0x90000046  }
0xb1: {  	s26 =	simm.s32 $0x9;
	_ =	strace $0x80000048  }
0xb2: {  	_ =	swait.ge [sflag:s26], $0x1  }
0xb3: {  	[sflag:s26] =	ssyncadd.s32 $0xFFFFFFFF  }
0xb4: {  	_ =	strace $0x90000048  }
0xb5: {  	_ =	sfence  }
0xb6: {  	s28 =	sld [smem:$0x0];
	_ =	sdelay $0x1  }
0xb7: {  	s29 =	srdreg.scid  }
0xb8: {  	s30 =	sshll.u32 s29, $0xD;
	s31 =	sshrl.u32 s29, $0x2  }
0xb9: {  	s1 =	sand.u32 $0x1, s29;
	s2 =	sand.u32 $0x4000, s30;
	s0 =	sadd.s32 s31, s28  }
0xba: {  	s1 =	sor.u32 s2, s1;
	s0 =	sshll.u32 s0, $0x11  }
0xbb: {  	s0 =	sor.u32 s0, s1  }
0xbc: {  	s0 =	sadd.s32 $0x8F2B, s0  }
0xbd: {  	[sflag:s0] =	ssyncadd.remote.s32 $0x1  }
0xbe: {  	_ =	sfence.sel $0xFFFF  }
0xbf: {  	[dreg:$0x0] =	wrdreg $0xFFFFFFFF;
	(pc) =	sbr.abs _section_cstart, $3  }
0xc0: {  	[dreg:$0x1] =	wrdreg $0xFFFFFFFF  }
0xc1: {  	_ =	task.clear_ibuf [dreg:s6], $0x2FFFF;
	_ =	strace $0x9FFFFFFF  }
0xc2: {  	(tm) =	ssettm $0x7FFFFFFF  }
0xc3: {  	_ =	shalt  }
tec
execute0_lowered:
.L_overlay_start_1:
0x0: {  	(tag) =	ssettag $0x1  }
0x1: {  	s4 =	rddreg [dreg:$0x0]  }
0x2: {  	s3 =	rddreg [dreg:$0x1]  }
0x3: {  	s2 =	rddreg [dreg:$0x2]  }
0x4: {  	s0 =	rddreg [dreg:$0x3];
	s1 =	simm.s32 $0x0  }
0x5: {  	vm0 =	vcmask $0x1714;
	vm1 =	vcmask $0x130C;
	vm2 =	vcmask $0xB08;
	[smem:$0x7FF] =	sst s1  }
0x6: {  	vm3 =	vcmask $0x704;
	v0 =	vimm.s32 $0x0;
	v1 =	vimm.s32 $0x2400007F;
	s19 =	simm.s32 $0x3;
	s3 =	sadd.s32 $0x400, s3;
	_ =	strace $0x80000047  }
0x7: {  	v2 =	vsel vm3, $0x13B, v0;
	v1 =	vunpack.c.0.s8.s32 v1;
	v3 =	vsel vm3, $0x13C, v0;
	[tilespmem:s1], [sflag:$0x3] =	stream.linear.gather [hbm4b:s3+s1], $0x80, $0x38;
	[tilespmem:$0x900] =	vst v63  }
0x8: {  	vm7 =	vcmask $0xF0C;
	v2 =	vsel vm2, $0x15C, v2;
	v3 =	vsel vm2, $0x15D, v3;
	_ =	swait.ge [sflag:s19], $0x80  }
0x9: {  	vm8 =	vcmask $0x1310;
	v1 =	vsel vm1, v1, v2;
	v54 =	vsel vm7, $0x25, v3;
	[sflag:s19] =	ssyncset.done $0x0  }
0xa: {  	vm9 =	vcmask $0x1B18;
	v1 =	vsel vm0, $0x18E, v1;
	v2 =	vsel vm8, $0x80, v54;
	[sflag:s19] =	ssyncadd.s32 $0xFFFFFF80  }
0xb: {  	vm10 =	vcmask $0x1F1C;
	v1 =	vsel vm9, $0x2B2, v1;
	v2 =	vsel vm0, $0x18F, v2;
	v55 =	vld [tilespmem:$0x0]  }
0xc: {  	vm11 =	vcmask $0x2320;
	v1 =	vsel vm10, $0x386, v1;
	v2 =	vsel vm9, $0x2B3, v2  }
0xd: {  	vm12 =	vcmask $0x2724;
	v1 =	vsel vm11, $0x2C7, v1;
	v2 =	vsel vm10, $0x387, v2  }
0xe: {  	vm13 =	vcmask $0x2B28;
	v1 =	vsel vm12, $0x133, v1;
	v2 =	vsel vm11, $0x2C8, v2  }
0xf: {  	v1 =	vsel vm13, $0x3A5, v1;
	v2 =	vsel vm12, $0x134, v2  }
0x10: {  	v2 =	vsel vm13, $0x3A6, v2;
	vm14 =	vgt.s32 v55, v1  }
0x11: {  	vm15 =	vmmov $0x1;
	v1 =	vsel vm14, v1, v2  }
0x12: {  	v1 =	vsel vm15, v55, v1  }
0x13: {  	[tilespmem:$0x80] =	vst v1  }
0x14: {  	v1 =	vld.msk [tilespmem:$0x80], $0xff;
	_ =	sdelay $0x4  }
0x15: {  	v56 =	vshll.u32 v1, $0x4  }
0x16: {  	v1 =	vand.u32 $0x7, v1;
	v2 =	vand.u32 $0xFFFFFF80, v56  }
0x17: {  	v57 =	vlaneseq.u32;
	v1 =	vor.u32 v1, v2  }
0x18: {  	v2 =	vmul.u32 $0x8, v57;
	v58 =	vperm.xlane v1, v0  }
0x19: {  	v4 =	vimm.s32 $0x1  }
0x1a: {  	v5 =	vperm.xlane v1, v4;
	v3 =	vadd.s32 v2, v58  }
0x1b: {  	v6 =	vimm.s32 $0x2  }
0x1c: {  	s20 =	stileid.u32;
	v7 =	vperm.xlane v1, v6;
	v5 =	vadd.s32 v2, v5  }
0x1d: {  	v8 =	vimm.s32 $0x3;
	s5 =	sshll.u32 s20, $0x7  }
0x1e: {  	s6 =	simm.s32 $0x100;
	s4 =	sadd.s32 s4, s5;
	v8 =	vperm.xlane v1, v8;
	v7 =	vadd.s32 v2, v7  }
0x1f: {  	v59 =	vimm.s32 $0x4;
	[tilespmem:s6], [sflag:$0x1] =	stream.indirect_vreg.gather [hbm4b:s4+s1], $0x80, v3, vm15, $0xb8;
	[tilespmem:$0x900] =	vst v63  }
0x20: {  	s7 =	simm.s32 $0x180;
	v8 =	vadd.s32 v2, v8;
	v3 =	vperm.xlane v1, v59  }
0x21: {  	v60 =	vimm.s32 $0x5;
	[tilespmem:s7], [sflag:$0x1] =	stream.indirect_vreg.gather [hbm4b:s4+s1], $0x80, v5, vm15, $0xb8;
	[tilespmem:$0x900] =	vst v63  }
0x22: {  	s21 =	simm.s32 $0x200;
	v3 =	vadd.s32 v2, v3;
	v5 =	vperm.xlane v1, v60  }
0x23: {  	v61 =	vimm.s32 $0x6;
	[tilespmem:s21], [sflag:$0x1] =	stream.indirect_vreg.gather [hbm4b:s4+s1], $0x80, v7, vm15, $0xb8;
	[tilespmem:$0x900] =	vst v63  }
0x24: {  	s22 =	simm.s32 $0x280;
	v5 =	vadd.s32 v2, v5;
	v7 =	vperm.xlane v1, v61  }
0x25: {  	v62 =	vimm.s32 $0x7;
	[tilespmem:s22], [sflag:$0x1] =	stream.indirect_vreg.gather [hbm4b:s4+s1], $0x80, v8, vm15, $0xb8;
	[tilespmem:$0x900] =	vst v63  }
0x26: {  	s23 =	simm.s32 $0x300;
	v1 =	vperm.xlane v1, v62;
	v7 =	vadd.s32 v2, v7  }
0x27: {  	[tilespmem:s23], [sflag:$0x1] =	stream.indirect_vreg.gather [hbm4b:s4+s1], $0x80, v3, vm15, $0xb8;
	[tilespmem:$0x900] =	vst v63  }
0x28: {  	s24 =	simm.s32 $0x380;
	v1 =	vadd.s32 v2, v1  }
0x29: {  	[tilespmem:s24], [sflag:$0x1] =	stream.indirect_vreg.gather [hbm4b:s4+s1], $0x80, v5, vm15, $0xb8;
	[tilespmem:$0x900] =	vst v63  }
0x2a: {  	s25 =	simm.s32 $0x400  }
0x2b: {  	[tilespmem:s25], [sflag:$0x1] =	stream.indirect_vreg.gather [hbm4b:s4+s1], $0x80, v7, vm15, $0xb8;
	[tilespmem:$0x900] =	vst v63  }
0x2c: {  	s8 =	simm.s32 $0x480  }
0x2d: {  	[tilespmem:s8], [sflag:$0x1] =	stream.indirect_vreg.gather [hbm4b:s4+s1], $0x80, v1, vm15, $0xb8;
	[tilespmem:$0x900] =	vst v63  }
0x2e: {  	v1 =	vld.msk [tilespmem:$0x88], $0x7;
	_ =	sdelay $0x4  }
0x2f: {  	v63 =	vshll.u32 v1, $0x4  }
0x30: {  	v1 =	vand.u32 $0x7, v1;
	v3 =	vand.u32 $0xFFFFFF80, v63  }
0x31: {  	v1 =	vor.u32 v1, v3  }
0x32: {  	v0 =	vperm.xlane v1, v0;
	_ =	sdelay $0x1  }
0x33: {  	v3 =	vperm.xlane v1, v4;
	v0 =	vadd.s32 v2, v0;
	_ =	sdelay $0x1  }
0x34: {  	v1 =	vperm.xlane v1, v6;
	v3 =	vadd.s32 v2, v3;
	_ =	sdelay $0x1  }
0x35: {  	s26 =	simm.s32 $0x500;
	v1 =	vadd.s32 v2, v1  }
0x36: {  	[tilespmem:s26], [sflag:$0x2] =	stream.indirect_vreg.gather [hbm4b:s4+s1], $0x80, v0, vm15, $0xb8;
	[tilespmem:$0x900] =	vst v63  }
0x37: {  	s9 =	simm.s32 $0x580  }
0x38: {  	[tilespmem:s9], [sflag:$0x2] =	stream.indirect_vreg.gather [hbm4b:s4+s1], $0x80, v3, vm15, $0xb8;
	[tilespmem:$0x900] =	vst v63  }
0x39: {  	s28 =	simm.s32 $0x600;
	s29 =	simm.s32 $0x1  }
0x3a: {  	[tilespmem:s28], [sflag:$0x2] =	stream.indirect_vreg.gather [hbm4b:s4+s1], $0x80, v1, vm15, $0xb8;
	[tilespmem:$0x900] =	vst v63  }
0x3b: {  	_ =	swait.ge [sflag:s29], $0x400  }
0x3c: {  	[sflag:s29] =	ssyncset.done $0x0  }
0x3d: {  	s30 =	simm.s32 $0x2;
	s2 =	sadd.s32 s2, s5;
	[sflag:s29] =	ssyncadd.s32 $0xFFFFFC00  }
0x3e: {  	[hbm4b:s2+s1] =	stream.linear.scatter [tilespmem:s6], [sflag:$0x1], $0x400, $0x38;
	[tilespmem:$0x900] =	vst v63  }
0x3f: {  	_ =	swait.ge [sflag:s30], $0x180  }
0x40: {  	[sflag:s30] =	ssyncset.done $0x0  }
0x41: {  	s31 =	simm.s32 $0x4000;
	s2 =	sadd.s32 $0x800, s2;
	[sflag:s30] =	ssyncadd.s32 $0xFFFFFE80  }
0x42: {  	[hbm4b:s2+s25] =	stream.strided.scatter [tilespmem:s26], [sflag:$0x2], $0x0, s31, s25, $0x38;
	[tilespmem:$0x900] =	vst v63  }
0x43: {  	_ = 	snop  }
0x44: {  	[hbm4b:s2+s1] =	stream.linear.scatter [tilespmem:s26], [sflag:$0x2], $0x180, $0x38;
	[tilespmem:$0x900] =	vst v63  }
0x45: {  	_ =	swait.ge [sflag:s29], $0x400  }
0x46: {  	[sflag:s29] =	ssyncset.done $0x0  }
0x47: {  	[sflag:s29] =	ssyncadd.s32 $0xFFFFFC00  }
0x48: {  	_ =	swait.ge [sflag:s30], $0x180  }
0x49: {  	[sflag:s30] =	ssyncset.done $0x0  }
0x4a: {  	[sflag:s30] =	ssyncadd.s32 $0xFFFFFE80  }
0x4b: {  	_ =	sfence.sel $0x180000  }
0x4c: {  	[bflag:$0x0] =	sbarrier.arrive $0xFFFF  }
0x4d: {  	p0 =	sne.s32 s20, $0x0;
	_ =	strace $0x90000047  }
0x4e: {  	s0 =	sadd.s32 @!p0 $0x100000, s0;
	[bflag:$0x2] =	sbarrier.arrive $0xFFFF  }
0x4f: {  	[sflag:s0] =	ssyncadd.tile.s32 @!p0 $0x1;
	_ =	shalt  }
.Lfunc_end2:
_tile_overlayer_lowered:
.L_overlay_start_2:
0x50: {  	(tag) =	ssettag $0x2  }
0x51: {  	s0 =	rddreg [dreg:$0x0];
	s2 =	stileid.u32  }
0x52: {  	s1 =	rddreg [dreg:$0x1];
	p0 =	sne.s32 s2, $0x0  }
0x53: {  	s3 =	rddreg [dreg:$0x2];
	[bflag:$0x3] =	sbarrier.arrive $0xFFFF;
	s2 =	simm.s32 @!p0 $0x1C03  }
0x54: {  	[timem:s3], [sflag:s2] =	dma.local @!p0 [hbm:s0], s1  }
0x55: {  	s0 =	simm.s32 @!p0 $0x3  }
0x56: {  	_ =	swait.ge @!p0 [sflag:s0], s1  }
0x57: {  	s1 =	ssub.s32 @!p0 $0x0, s1;
	[sflag:s0] =	ssyncset.done @!p0 $0x0  }
0x58: {  	[sflag:s0] =	ssyncadd.s32 @!p0 s1  }
0x59: {  	[bflag:$0x3] =	sbarrier.arrive $0xFFFF  }
0x5a: {  	_ =	shalt  }

</sc_bundles>
